<compile_context>
chip_gen: v7x
topology: tpu7x:2x2x1
jax: 0.10.2.dev20260603
libtpu: 0.0.44.dev20260713+nightly
codegen_flags: <defaults>
</compile_context>

<pallas_src>
import jax
import jax.numpy as jnp
from jax.experimental import pallas as pl
from jax.experimental.pallas import tpu as pltpu

_CH = 1000
_NBUF = 4
_FL = _CH * 1024


def _probe_kernel(x_ref, s_ref, d_ref, i_ref, xbuf, in_sems):
    n1 = x_ref.shape[0]
    nchunk = n1 // _FL
    c = pl.program_id(0)

    def in_copy(k, slot):
        return pltpu.make_async_copy(
            x_ref.at[pl.ds(k * _FL, _FL)], xbuf.at[slot], in_sems.at[slot])

    @pl.when(c == 0)
    def _():
        for s in range(_NBUF):
            in_copy(s, s).start()

    slot = jax.lax.rem(c, _NBUF)
    in_copy(c, slot).wait()
    s_ref[...] = jnp.zeros(s_ref.shape, jnp.float32)
    d_ref[...] = jnp.zeros(d_ref.shape, jnp.float32)
    i_ref[...] = jnp.zeros(i_ref.shape, jnp.float32)

    @pl.when(c + _NBUF < nchunk)
    def _():
        in_copy(c + _NBUF, slot).start()


def kernel(x, W_cls, b_cls, W_bbox, b_bbox, W_iou, b_iou):
    n, d = x.shape
    kc = W_cls.shape[0]
    kb = W_bbox.shape[0]
    ki = W_iou.shape[0]
    x1 = x.reshape(-1)
    nchunk = n // _CH
    row_block = lambda i: (i, 0)
    scores, deltas, iou = pl.pallas_call(
        _probe_kernel,
        grid=(nchunk,),
        in_specs=[pl.BlockSpec(memory_space=pl.ANY)],
        out_specs=[
            pl.BlockSpec((_CH, kc), row_block),
            pl.BlockSpec((_CH, kb), row_block),
            pl.BlockSpec((_CH, ki), row_block),
        ],
        out_shape=[
            jax.ShapeDtypeStruct((n, kc), jnp.float32),
            jax.ShapeDtypeStruct((n, kb), jnp.float32),
            jax.ShapeDtypeStruct((n, ki), jnp.float32),
        ],
        scratch_shapes=[
            pltpu.VMEM((_NBUF, _FL), jnp.float32),
            pltpu.SemaphoreType.DMA((_NBUF,)),
        ],
        compiler_params=pltpu.CompilerParams(
            vmem_limit_bytes=110 * 1024 * 1024,
        ),
    )(x1)
    return scores, deltas, iou

# --- scband reference (transcript-rebuilt; emitter-appended) ---
"""Pipeline reference for scband-fast-rcnnoutput-layers-io-u-64012192579930 (READ-ONLY COPY).

The authoritative reference and input builder live on the scoring server;
editing this copy changes nothing except your own understanding.
"""

import jax, jax.numpy as jnp
import numpy as np

N = 20000          # number of proposals
D = 1024           # input feature dim (input_shape.channels)
NUM_CLASSES = 80   # foreground classes; cls head outputs K+1
NUM_BBOX_OUT = NUM_CLASSES * 4  # cls_agnostic_bbox_reg=False


def setup_inputs(seed: int = 0) -> dict:
    key = jax.random.key(seed)
    ks = jax.random.split(key, 8)
    x = jax.random.normal(ks[0], (N, D), dtype=jnp.float32)
    # Learned parameters, initialized like detectron2 FastRCNNOutputLayers:
    # cls_score: normal std=0.01, bbox_pred: normal std=0.001, biases zero.
    W_cls = jax.random.normal(ks[1], (NUM_CLASSES + 1, D), dtype=jnp.float32) * 0.01
    b_cls = jnp.zeros((NUM_CLASSES + 1,), dtype=jnp.float32)
    W_bbox = jax.random.normal(ks[2], (NUM_BBOX_OUT, D), dtype=jnp.float32) * 0.001
    b_bbox = jnp.zeros((NUM_BBOX_OUT,), dtype=jnp.float32)
    W_iou = jax.random.normal(ks[3], (1, D), dtype=jnp.float32) * 0.01
    b_iou = jnp.zeros((1,), dtype=jnp.float32)
    return {
        "x": x,
        "W_cls": W_cls, "b_cls": b_cls,
        "W_bbox": W_bbox, "b_bbox": b_bbox,
        "W_iou": W_iou, "b_iou": b_iou,
    }


def reference(x, W_cls, b_cls, W_bbox, b_bbox, W_iou, b_iou):
    # Faithful translation of FastRCNNOutputLayersIoU.forward:
    #   if x.dim() > 2: x = torch.flatten(x, start_dim=1)
    #   scores = self.cls_score(x)           -> [N, K+1]
    #   proposal_deltas = self.bbox_pred(x)  -> [N, K*4]
    #   iou_pred = self.iou_pred(x)          -> [N, 1]  (iou-ness head, raw logits;
    #       sigmoid is applied later in _dense_iou_loss / inference)
    if x.ndim > 2:
        x = x.reshape(x.shape[0], -1)
    scores = x @ W_cls.T + b_cls
    proposal_deltas = x @ W_bbox.T + b_bbox
    iou_pred = x @ W_iou.T + b_iou
    return scores, proposal_deltas, iou_pred


if False:  # reference __main__ guard neutralized (emitter)
    inp = setup_inputs()
    out = reference(**inp)
    print([o.shape for o in out])

if __name__ == "__main__":
    import jax
    _d = setup_inputs()
    print(jax.jit(kernel)(*tuple(_d.values())))

</pallas_src>

<mosaic_0001>
module attributes {stable_mosaic.version = 14 : i64} {
  func.func @_probe_kernel(%arg0: i32, %arg1: memref<20480000xf32, #tpu.memory_space<any>>, %arg2: memref<1000x81xf32, #tpu.memory_space<vmem>>, %arg3: memref<1000x320xf32, #tpu.memory_space<vmem>>, %arg4: memref<1000x1xf32, #tpu.memory_space<vmem>>, %arg5: memref<4x1024000xf32, #tpu.memory_space<vmem>>, %arg6: memref<4x!tpu.dma_semaphore, #tpu.memory_space<semaphore_mem>>) attributes {dimension_semantics = [#tpu.dimension_semantics<arbitrary>], iteration_bounds = array<i64: 20>, scalar_prefetch = 0 : i64, scratch_operands = 2 : i64, tpu.core_type = #tpu.core_type<tc>, window_params = [{}, {transform_indices = @transform_1, window_bounds = array<i64: 1000, 81>}, {transform_indices = @transform_2, window_bounds = array<i64: 1000, 320>}, {transform_indices = @transform_3, window_bounds = array<i64: 1000, 1>}]} {
    %eq3A = arith.constant 0 : i32
    %eq3A_0 = arith.cmpi eq, %arg0, %eq3A : i32
    %convert_element_type3A = arith.extui %eq3A_0 : i1 to i32
    %cond3A = arith.constant 0 : i32
    %cond3A_1 = arith.cmpi ne, %convert_element_type3A, %cond3A : i32
    scf.if %cond3A_1 {
      %dma_start3A = arith.constant 0 : i32
      %dma_start3A_27 = arith.constant 0 : i32
      %dma_start3A_28 = tpu.memref_slice %arg6[%dma_start3A_27] : memref<4x!tpu.dma_semaphore, #tpu.memory_space<semaphore_mem>> -> memref<1x!tpu.dma_semaphore, #tpu.memory_space<semaphore_mem>>
      %dma_start3A_29 = tpu.memref_squeeze %dma_start3A_28 : memref<1x!tpu.dma_semaphore, #tpu.memory_space<semaphore_mem>> -> memref<!tpu.dma_semaphore, #tpu.memory_space<semaphore_mem>>
      %dma_start3A_30 = arith.constant 0 : i32
      %dma_start3A_31 = tpu.memref_slice %arg5[%dma_start3A, %dma_start3A_30] : memref<4x1024000xf32, #tpu.memory_space<vmem>> -> memref<1x1024000xf32, #tpu.memory_space<vmem>>
      %dma_start3A_32 = tpu.memref_squeeze %dma_start3A_31 : memref<1x1024000xf32, #tpu.memory_space<vmem>> -> memref<1024000xf32, #tpu.memory_space<vmem>>
      %dma_start3A_33 = arith.constant 0 : i32
      %dma_start3A_34 = tpu.memref_slice %arg1[%dma_start3A_33] : memref<20480000xf32, #tpu.memory_space<any>> -> memref<1024000xf32, #tpu.memory_space<any>>
      tpu.enqueue_dma source(%dma_start3A_34 : memref<1024000xf32, #tpu.memory_space<any>>) target(%dma_start3A_32 : memref<1024000xf32, #tpu.memory_space<vmem>>) target_semaphore(%dma_start3A_29 : memref<!tpu.dma_semaphore, #tpu.memory_space<semaphore_mem>>)
      %dma_start3A_35 = arith.constant 1 : i32
      %dma_start3A_36 = arith.constant 1 : i32
      %dma_start3A_37 = tpu.memref_slice %arg6[%dma_start3A_36] : memref<4x!tpu.dma_semaphore, #tpu.memory_space<semaphore_mem>> -> memref<1x!tpu.dma_semaphore, #tpu.memory_space<semaphore_mem>>
      %dma_start3A_38 = tpu.memref_squeeze %dma_start3A_37 : memref<1x!tpu.dma_semaphore, #tpu.memory_space<semaphore_mem>> -> memref<!tpu.dma_semaphore, #tpu.memory_space<semaphore_mem>>
      %dma_start3A_39 = arith.constant 0 : i32
      %dma_start3A_40 = tpu.memref_slice %arg5[%dma_start3A_35, %dma_start3A_39] : memref<4x1024000xf32, #tpu.memory_space<vmem>> -> memref<1x1024000xf32, #tpu.memory_space<vmem>>
      %dma_start3A_41 = tpu.memref_squeeze %dma_start3A_40 : memref<1x1024000xf32, #tpu.memory_space<vmem>> -> memref<1024000xf32, #tpu.memory_space<vmem>>
      %dma_start3A_42 = arith.constant 1024000 : i32
      %dma_start3A_43 = tpu.memref_slice %arg1[%dma_start3A_42] : memref<20480000xf32, #tpu.memory_space<any>> -> memref<1024000xf32, #tpu.memory_space<any>>
      tpu.enqueue_dma source(%dma_start3A_43 : memref<1024000xf32, #tpu.memory_space<any>>) target(%dma_start3A_41 : memref<1024000xf32, #tpu.memory_space<vmem>>) target_semaphore(%dma_start3A_38 : memref<!tpu.dma_semaphore, #tpu.memory_space<semaphore_mem>>)
      %dma_start3A_44 = arith.constant 2 : i32
      %dma_start3A_45 = arith.constant 2 : i32
      %dma_start3A_46 = tpu.memref_slice %arg6[%dma_start3A_45] : memref<4x!tpu.dma_semaphore, #tpu.memory_space<semaphore_mem>> -> memref<1x!tpu.dma_semaphore, #tpu.memory_space<semaphore_mem>>
      %dma_start3A_47 = tpu.memref_squeeze %dma_start3A_46 : memref<1x!tpu.dma_semaphore, #tpu.memory_space<semaphore_mem>> -> memref<!tpu.dma_semaphore, #tpu.memory_space<semaphore_mem>>
      %dma_start3A_48 = arith.constant 0 : i32
      %dma_start3A_49 = tpu.memref_slice %arg5[%dma_start3A_44, %dma_start3A_48] : memref<4x1024000xf32, #tpu.memory_space<vmem>> -> memref<1x1024000xf32, #tpu.memory_space<vmem>>
      %dma_start3A_50 = tpu.memref_squeeze %dma_start3A_49 : memref<1x1024000xf32, #tpu.memory_space<vmem>> -> memref<1024000xf32, #tpu.memory_space<vmem>>
      %dma_start3A_51 = arith.constant 2048000 : i32
      %dma_start3A_52 = tpu.memref_slice %arg1[%dma_start3A_51] : memref<20480000xf32, #tpu.memory_space<any>> -> memref<1024000xf32, #tpu.memory_space<any>>
      tpu.enqueue_dma source(%dma_start3A_52 : memref<1024000xf32, #tpu.memory_space<any>>) target(%dma_start3A_50 : memref<1024000xf32, #tpu.memory_space<vmem>>) target_semaphore(%dma_start3A_47 : memref<!tpu.dma_semaphore, #tpu.memory_space<semaphore_mem>>)
      %dma_start3A_53 = arith.constant 3 : i32
      %dma_start3A_54 = arith.constant 3 : i32
      %dma_start3A_55 = tpu.memref_slice %arg6[%dma_start3A_54] : memref<4x!tpu.dma_semaphore, #tpu.memory_space<semaphore_mem>> -> memref<1x!tpu.dma_semaphore, #tpu.memory_space<semaphore_mem>>
      %dma_start3A_56 = tpu.memref_squeeze %dma_start3A_55 : memref<1x!tpu.dma_semaphore, #tpu.memory_space<semaphore_mem>> -> memref<!tpu.dma_semaphore, #tpu.memory_space<semaphore_mem>>
      %dma_start3A_57 = arith.constant 0 : i32
      %dma_start3A_58 = tpu.memref_slice %arg5[%dma_start3A_53, %dma_start3A_57] : memref<4x1024000xf32, #tpu.memory_space<vmem>> -> memref<1x1024000xf32, #tpu.memory_space<vmem>>
      %dma_start3A_59 = tpu.memref_squeeze %dma_start3A_58 : memref<1x1024000xf32, #tpu.memory_space<vmem>> -> memref<1024000xf32, #tpu.memory_space<vmem>>
      %dma_start3A_60 = arith.constant 3072000 : i32
      %dma_start3A_61 = tpu.memref_slice %arg1[%dma_start3A_60] : memref<20480000xf32, #tpu.memory_space<any>> -> memref<1024000xf32, #tpu.memory_space<any>>
      tpu.enqueue_dma source(%dma_start3A_61 : memref<1024000xf32, #tpu.memory_space<any>>) target(%dma_start3A_59 : memref<1024000xf32, #tpu.memory_space<vmem>>) target_semaphore(%dma_start3A_56 : memref<!tpu.dma_semaphore, #tpu.memory_space<semaphore_mem>>)
    } else {
    }
    %rem3A = arith.constant 4 : i32
    %rem3A_2 = arith.remsi %arg0, %rem3A : i32
    %mul3A = arith.constant 1024000 : i32
    %mul3A_3 = arith.muli %arg0, %mul3A : i32
    %dma_wait3A = tpu.memref_slice %arg6[%rem3A_2] : memref<4x!tpu.dma_semaphore, #tpu.memory_space<semaphore_mem>> -> memref<1x!tpu.dma_semaphore, #tpu.memory_space<semaphore_mem>>
    %dma_wait3A_4 = tpu.memref_squeeze %dma_wait3A : memref<1x!tpu.dma_semaphore, #tpu.memory_space<semaphore_mem>> -> memref<!tpu.dma_semaphore, #tpu.memory_space<semaphore_mem>>
    %dma_wait3A_5 = arith.constant 0 : i32
    %dma_wait3A_6 = tpu.memref_slice %arg5[%rem3A_2, %dma_wait3A_5] : memref<4x1024000xf32, #tpu.memory_space<vmem>> -> memref<1x1024000xf32, #tpu.memory_space<vmem>>
    %dma_wait3A_7 = tpu.memref_squeeze %dma_wait3A_6 : memref<1x1024000xf32, #tpu.memory_space<vmem>> -> memref<1024000xf32, #tpu.memory_space<vmem>>
    %dma_wait3A_8 = tpu.memref_slice %arg1[%mul3A_3] : memref<20480000xf32, #tpu.memory_space<any>> -> memref<1024000xf32, #tpu.memory_space<any>>
    tpu.wait_dma2 semaphore(%dma_wait3A_4 : memref<!tpu.dma_semaphore, #tpu.memory_space<semaphore_mem>>) src(%dma_wait3A_8 : memref<1024000xf32, #tpu.memory_space<any>>) dst(%dma_wait3A_7 : memref<1024000xf32, #tpu.memory_space<vmem>>)
    %broadcast_in_dim3A = arith.constant 0.000000e+00 : f32
    %broadcast_in_dim3A_9 = vector.broadcast %broadcast_in_dim3A : f32 to vector<1000x81xf32>
    %swap3A = arith.constant 0 : index
    %swap3A_10 = arith.constant 0 : index
    %swap3A_11 = vector.load %arg2[%swap3A, %swap3A_10] : memref<1000x81xf32, #tpu.memory_space<vmem>>, vector<1000x81xf32>
    tpu.vector_store %arg2[%swap3A, %swap3A_10], %broadcast_in_dim3A_9 {strides = array<i32>} : memref<1000x81xf32, #tpu.memory_space<vmem>>, vector<1000x81xf32>,
    %broadcast_in_dim3A_12 = arith.constant 0.000000e+00 : f32
    %broadcast_in_dim3A_13 = vector.broadcast %broadcast_in_dim3A_12 : f32 to vector<1000x320xf32>
    %swap3A_14 = arith.constant 0 : index
    %swap3A_15 = arith.constant 0 : index
    %swap3A_16 = vector.load %arg3[%swap3A_14, %swap3A_15] : memref<1000x320xf32, #tpu.memory_space<vmem>>, vector<1000x320xf32>
    tpu.vector_store %arg3[%swap3A_14, %swap3A_15], %broadcast_in_dim3A_13 {strides = array<i32>} : memref<1000x320xf32, #tpu.memory_space<vmem>>, vector<1000x320xf32>,
    %broadcast_in_dim3A_17 = arith.constant 0.000000e+00 : f32
    %broadcast_in_dim3A_18 = vector.broadcast %broadcast_in_dim3A_17 : f32 to vector<1000x1xf32>
    %swap3A_19 = arith.constant 0 : index
    %swap3A_20 = arith.constant 0 : index
    %swap3A_21 = vector.load %arg4[%swap3A_19, %swap3A_20] : memref<1000x1xf32, #tpu.memory_space<vmem>>, vector<1000x1xf32>
    tpu.vector_store %arg4[%swap3A_19, %swap3A_20], %broadcast_in_dim3A_18 {strides = array<i32>} : memref<1000x1xf32, #tpu.memory_space<vmem>>, vector<1000x1xf32>,
    %add3A = arith.constant 4 : i32
    %add3A_22 = arith.addi %arg0, %add3A : i32
    %lt3A = arith.constant 20 : i32
    %lt3A_23 = arith.cmpi slt, %add3A_22, %lt3A : i32
    %convert_element_type3A_24 = arith.extui %lt3A_23 : i1 to i32
    %cond3A_25 = arith.constant 0 : i32
    %cond3A_26 = arith.cmpi ne, %convert_element_type3A_24, %cond3A_25 : i32
    scf.if %cond3A_26 {
      %add3A_27 = arith.constant 4 : i32
      %add3A_28 = arith.addi %arg0, %add3A_27 : i32
      %mul3A_29 = arith.constant 1024000 : i32
      %mul3A_30 = arith.muli %add3A_28, %mul3A_29 : i32
      %dma_start3A = tpu.memref_slice %arg6[%rem3A_2] : memref<4x!tpu.dma_semaphore, #tpu.memory_space<semaphore_mem>> -> memref<1x!tpu.dma_semaphore, #tpu.memory_space<semaphore_mem>>
      %dma_start3A_31 = tpu.memref_squeeze %dma_start3A : memref<1x!tpu.dma_semaphore, #tpu.memory_space<semaphore_mem>> -> memref<!tpu.dma_semaphore, #tpu.memory_space<semaphore_mem>>
      %dma_start3A_32 = arith.constant 0 : i32
      %dma_start3A_33 = tpu.memref_slice %arg5[%rem3A_2, %dma_start3A_32] : memref<4x1024000xf32, #tpu.memory_space<vmem>> -> memref<1x1024000xf32, #tpu.memory_space<vmem>>
      %dma_start3A_34 = tpu.memref_squeeze %dma_start3A_33 : memref<1x1024000xf32, #tpu.memory_space<vmem>> -> memref<1024000xf32, #tpu.memory_space<vmem>>
      %dma_start3A_35 = tpu.memref_slice %arg1[%mul3A_30] : memref<20480000xf32, #tpu.memory_space<any>> -> memref<1024000xf32, #tpu.memory_space<any>>
      tpu.enqueue_dma source(%dma_start3A_35 : memref<1024000xf32, #tpu.memory_space<any>>) target(%dma_start3A_34 : memref<1024000xf32, #tpu.memory_space<vmem>>) target_semaphore(%dma_start3A_31 : memref<!tpu.dma_semaphore, #tpu.memory_space<semaphore_mem>>)
    } else {
    }
    return
  }
  func.func @transform_1(%arg0: i32) -> (i32, i32) {
    %c0_i32 = arith.constant 0 : i32
    %c0_i32_0 = arith.constant 0 : i32
    return %arg0, %c0_i32 : i32, i32
  }
  func.func @transform_2(%arg0: i32) -> (i32, i32) {
    %c0_i32 = arith.constant 0 : i32
    %c0_i32_0 = arith.constant 0 : i32
    return %arg0, %c0_i32 : i32, i32
  }
  func.func @transform_3(%arg0: i32) -> (i32, i32) {
    %c0_i32 = arith.constant 0 : i32
    %c0_i32_0 = arith.constant 0 : i32
    return %arg0, %c0_i32 : i32, i32
  }
}

</mosaic_0001>

<sc_bundles>
// kernel: sparse-core-data-format-call.cloned.1.call-start
scs
called_computation_lowered:
.L_overlay_start_0:
0x0: {  	s2 =	sld [smem:$0x3FD9]  }
0x1: {  	s3 =	sld [smem:$0x3FFE];
	_ =	sdelay $0x1  }
0x2: {  	s1 =	srdreg.scid  }
0x3: {  	s0 =	sand.u32 $0x1, s1  }
0x4: {  	s18 =	sshll.u32 s0, $0xA;
	s2 =	sadd.s32 s3, s2  }
0x5: {  	s2 =	sadd.s32 s2, s18  }
0x6: {  	[smem:$0x3FC7] =	sst s2  }
0x7: {  	_ = 	snop  }
0x8: {  	s2 =	sld [smem:$0x3FC9];
	(tm) =	ssettm $0x1  }
0x9: {  	s19 =	sld [smem:$0x3FFB];
	_ =	sdelay $0x3  }
0xa: {  	_ =	strace s19  }
0xb: {  	s3 =	sld [smem:$0x3FFC];
	_ =	sdelay $0x3  }
0xc: {  	_ =	strace s3  }
0xd: {  	s3 =	sld [smem:$0x3FFD];
	_ =	sdelay $0x3  }
0xe: {  	_ =	strace s3  }
0xf: {  	_ =	strace $0x8FFFFFFF  }
0x10: {  	s20 =	sld [smem:$0x3FDB];
	_ =	sdelay $0x1  }
0x11: {  	s4 =	simm.s32 $_scs_section_size  }
0x12: {  	s5 =	simm.s32 $_size__tile_overlayer_lowered;
	s6 =	simm.s32 $_tile_overlayer_lowered  }
0x13: {  	s23 =	simm.s32 $0x1BFF;
	s22 =	sshll.u32 s6, $0x1;
	s3 =	sadd.s32 s4, s20  }
0x14: {  	s7 =	simm.s32 $0x0;
	s21 =	sshll.u32 s5, $0x1;
	s5 =	sadd.s32 s22, s3  }
0x15: {  	[timem:s7], [sflag:s23] =	dma.local [hbm:s5], s21  }
0x16: {  	_ =	swait.ge [sflag:s23], s21  }
0x17: {  	s4 =	ssub.s32 $0x0, s21;
	[sflag:s23] =	ssyncset.done $0x0  }
0x18: {  	[sflag:s23] =	ssyncadd.s32 s4;
	_ =	sdelay $0x1  }
0x19: {  	s24 =	simm.s32 $0x1B8B  }
0x1a: {  	_ =	swait.ge [sflag:s24], $0x1  }
0x1b: {  	[sflag:s24] =	ssyncset.done $0x0  }
0x1c: {  	s26 =	simm.s32 $0x1B8E;
	s25 =	sld [smem:$0x3FFE];
	[sflag:s24] =	ssyncadd.s32 $0xFFFFFFFF  }
0x1d: {  	s27 =	simm.s32 $execute0_lowered;
	[smem:$0x3FD2] =	sst s26  }
0x1e: {  	s5 =	sshll.u32 s27, $0x1;
	_ =	strace $0x80000046;
	[dreg:$0x1] =	wrdreg $0xFFFFFFFF  }
0x1f: {  	s28 =	simm.s32 $_size_execute0_lowered;
	s3 =	sadd.s32 s3, s5;
	[dreg:$0x0] =	wrdreg $0x0  }
0x20: {  	s5 =	sshll.u32 s28, $0x1;
	[dreg:$0x2] =	wrdreg s3  }
0x21: {  	[dreg:$0x3] =	wrdreg s5  }
0x22: {  	[dreg:$0x4] =	wrdreg $0xC0  }
0x23: {  	_ =	task [dreg:s7], $0x5FFFF  }
0x24: {  	[dreg:$0x1] =	wrdreg $0xFFFFFFFF  }
0x25: {  	[dreg:$0x0] =	wrdreg $0x60  }
0x26: {  	[dreg:$0x2] =	wrdreg s2  }
0x27: {  	[dreg:$0x3] =	wrdreg s25  }
0x28: {  	[dreg:$0x4] =	wrdreg $0x9  }
0x29: {  	_ =	task.clear_ibuf [dreg:s7], $0x5FFFF;
	_ =	strace $0x90000046  }
0x2a: {  	s29 =	simm.s32 $0x9;
	_ =	strace $0x80000048  }
0x2b: {  	_ =	swait.ge [sflag:s29], $0x1  }
0x2c: {  	[sflag:s29] =	ssyncadd.s32 $0xFFFFFFFF  }
0x2d: {  	_ =	strace $0x90000048  }
0x2e: {  	_ =	sfence  }
0x2f: {  	s30 =	sld [smem:$0x0];
	_ =	sdelay $0x2  }
0x30: {  	s31 =	sshll.u32 s1, $0xD;
	s1 =	sshrl.u32 s1, $0x2  }
0x31: {  	s3 =	sand.u32 $0x4000, s31;
	s1 =	sadd.s32 s1, s30  }
0x32: {  	s0 =	sor.u32 s3, s0;
	s1 =	sshll.u32 s1, $0x11  }
0x33: {  	s0 =	sor.u32 s1, s0  }
0x34: {  	s0 =	sadd.s32 $0x8F2B, s0  }
0x35: {  	[sflag:s0] =	ssyncadd.remote.s32 $0x1  }
0x36: {  	_ =	sfence.sel $0xFFFF  }
0x37: {  	[dreg:$0x0] =	wrdreg $0xFFFFFFFF;
	(pc) =	sbr.abs _section_cstart, $3  }
0x38: {  	[dreg:$0x1] =	wrdreg $0xFFFFFFFF  }
0x39: {  	_ =	task.clear_ibuf [dreg:s7], $0x2FFFF;
	_ =	strace $0x9FFFFFFF  }
0x3a: {  	(tm) =	ssettm $0x7FFFFFFF  }
0x3b: {  	_ =	shalt  }
tec
execute0_lowered:
.L_overlay_start_1:
0x0: {  	(tag) =	ssettag $0x1  }
0x1: {  	s0 =	srdreg.scid  }
0x2: {  	s1 =	sshll.u32 s0, $0x4  }
0x3: {  	s2 =	rddreg [dreg:$0x0];
	s0 =	stileid.u32;
	s1 =	sand.u32 $0x10, s1  }
0x4: {  	s4 =	rddreg [dreg:$0x1];
	s7 =	simm.s32 $0x1;
	s1 =	sor.u32 s0, s1  }
0x5: {  	s8 =	simm.s32 $0x2;
	s9 =	simm.s32 $0x0;
	s3 =	sshll.u32 s1, $0x1  }
0x6: {  	s12 =	simm.s32 $0x0;
	s11 =	simm.s32 $0x0;
	s6 =	ssub.s32 $0x9C4, s3  }
.Ltmp0:
0x7: {  	s4 =	sadd.s32 $0x600, s4;
	s5 =	sand.u32 $0x3E, s6;
	(pc) =	sbr.rel .LBB1_1-.Ltmp0, $4  }
0x8: {  	s1 =	rddreg [dreg:$0x2];
	_ =	strace $0x80000047;
	p0 =	sne.s32 s5, $0x0  }
0x9: {  	s6 =	sshrl.u32 s6, $0x6;
	s5 =	simm.s32 $0x1;
	s7 =	simm.s32 @!p0 $0x0  }
0xa: {  	s10 =	smov.u32 s3;
	[sflag:s5] =	ssyncpa.u1 $0x0;
	s6 =	sadd.s32 s7, s6  }
0xb: {  	[sflag:s8] =	ssyncpa.u1 $0x0;
	s8 =	simm.s32 $0x0;
	s7 =	sadd.s32 $0x1, s6  }
.LBB1_9:
0xc: {  	s14 =	sadd.s32 $0x40, s10  }
0xd: {  	p1 =	sgt.s32 s14, $0x9C3  }
0xe: {  	s14 =	smov.u32 @p1 s3;
	p1 =	sne.s32 s11, s7  }
.Ltmp1:
0xf: {  	p0 =	slt.u32 s11, $0x2;
	(pc) =	sbr.rel @!p1 .LBB1_10-.Ltmp1, $4  }
0x10: {  	s13 =	simm.s32 @!p0 $0x2  }
0x11: {  	s15 =	sadd.s32 $0x1, s11;
	_ =	swait.ge @!p0 [sflag:s13], $0x4000  }
0x12: {  	s12 =	smov.u32 s10;
	s9 =	sadd.s32 $0x4000, s9;
	[sflag:s13] =	ssyncset.done @!p0 $0x0  }
0x13: {  	s11 =	smov.u32 s15;
	s10 =	smov.u32 s14;
	[sflag:s13] =	ssyncadd.s32 @!p0 $0xFFFFC000  }
.LBB1_1:
0x14: {  	p0 =	sge.u32 s11, s6  }
0x15: {  	s13 =	sxor.u32 @!p0 $0xFFFFFFFF, s11  }
0x16: {  	s31 =	sadd.s32 $0xFFFFFFFF, s11;
	s14 =	sshll.u32 @!p0 s10, $0xA;
	s13 =	sshll.u32 @!p0 s13, $0xE  }
0x17: {  	s15 =	simm.s32 @!p0 $0x0;
	s14 =	sadd.s32 @!p0 s2, s14;
	s13 =	sand.u32 @!p0 $0x4000, s13  }
0x18: {  	[tilespmem:s13], [sflag:$0x1] =	stream.linear.gather @!p0 [hbm4b:s14+s15], $0x4000, $0x38;
	[tilespmem:$0x10000] =	vst v63  }
0x19: {  	p0 =	sge.u32 s31, s6  }
.Ltmp2:
0x1a: {  	_ = 	snop;
	(pc) =	sbr.rel @p0 .LBB1_9-.Ltmp2, $1  }
0x1b: {  	_ =	sdelay $0x3  }
0x1c: {  	s13 =	sshll.u32 s9, $0x2  }
0x1d: {  	_ =	swait.ge [sflag:s5], $0x4000;
	s14 =	sshll.u32 s11, $0xE;
	s16 =	simm.s32 $0x0  }
0x1e: {  	p1 =	por $0x1, $0x1;
	s13 =	sand.u32 $0x10000, s13;
	[sflag:s5] =	ssyncset.done $0x0  }
0x1f: {  	s14 =	sand.u32 $0x4000, s14;
	s15 =	sshrl.u32 s13, $0x2;
	[sflag:s5] =	ssyncadd.s32 $0xFFFFC000  }
0x20: {  	s13 =	sor.u32 $0x8000, s14;
	s14 =	sadd.s32 $0x8040, s15;
	s15 =	sadd.s32 $0x40, s15  }
.LBB1_3:
0x21: {  	s16 =	sshll.u32 s16, $0x2  }
0x22: {  	p0 =	por p1, p1;
	s17 =	sshra.s32 s16, $0x2  }
0x23: {  	s18 =	simm.s32 $0x0;
	s16 =	sadd.s32 s17, s14;
	s17 =	sadd.s32 s17, s15  }
.LBB1_4:
0x24: {  	v0 =	vmov s17;
	_ =	sdelay $0x3  }
0x25: {  	s20 =	simm.s32 $0x0  }
0x26: {  	v6 =	vld.idx.msk [tilespmem:v0+s20+$0x30 ss:$0x1], $0xffff  }
0x27: {  	v7 =	vld.idx.msk [tilespmem:v0+s20+$0xFFFFFFC0 ss:$0x1], $0xffff  }
0x28: {  	v5 =	vld.idx.msk [tilespmem:v0+s20+$0xFFFFFFD0 ss:$0x1], $0xffff  }
0x29: {  	v4 =	vld.idx.msk [tilespmem:v0+s20+$0xFFFFFFE0 ss:$0x1], $0xffff  }
0x2a: {  	v3 =	vld.idx.msk [tilespmem:v0+s20+$0xFFFFFFF0 ss:$0x1], $0xffff  }
0x2b: {  	v1 =	vld.idx.msk [tilespmem:v0+s20+$0x0 ss:$0x1], $0xffff  }
0x2c: {  	v2 =	vld.idx.msk [tilespmem:v0+s20+$0x10 ss:$0x1], $0xffff;
	[tilespmem:s16+$0x30] =	vst v6  }
0x2d: {  	s19 =	simm.s32 $0x80;
	s21 =	simm.s32 $0x400;
	[tilespmem:s16+$0xFFFFFFC0] =	vst v7;
	v6 =	vld.idx.msk [tilespmem:v0+s20+$0x20 ss:$0x1], $0xffff;
	s20 =	smov.u32 s16  }
.LBB1_5:
0x2e: {  	p1 =	sne.s32 s21, $0xE00;
	v7 =	vld.idx.msk [tilespmem:v0+s19+$0x30 ss:$0x1], $0xffff;
	[tilespmem:s20+$0xFFFFFFD0] =	vst v5  }
0x2f: {  	v8 =	vld.idx.msk [tilespmem:v0+s19+$0xFFFFFFC0 ss:$0x1], $0xffff;
	[tilespmem:s20+$0xFFFFFFE0] =	vst v4  }
0x30: {  	v5 =	vld.idx.msk [tilespmem:v0+s19+$0xFFFFFFD0 ss:$0x1], $0xffff;
	[tilespmem:s20+$0xFFFFFFF0] =	vst v3  }
.Ltmp3:
0x31: {  	v4 =	vld.idx.msk [tilespmem:v0+s19+$0xFFFFFFE0 ss:$0x1], $0xffff;
	[tilespmem:s20+$0x0] =	vst v1;
	(pc) =	sbr.rel @p1 .LBB1_5-.Ltmp3, $4  }
0x32: {  	v3 =	vld.idx.msk [tilespmem:v0+s19+$0xFFFFFFF0 ss:$0x1], $0xffff;
	[tilespmem:s20+$0x10] =	vst v2  }
0x33: {  	v1 =	vld.idx.msk [tilespmem:v0+s19+$0x0 ss:$0x1], $0xffff;
	[tilespmem:s20+$0x20] =	vst v6;
	s20 =	sadd.s32 $0x400, s20  }
0x34: {  	v2 =	vld.idx.msk [tilespmem:v0+s19+$0x10 ss:$0x1], $0xffff;
	[tilespmem:s20+$0x30] =	vst v7  }
0x35: {  	[tilespmem:s20+$0xFFFFFFC0] =	vst v8;
	v6 =	vld.idx.msk [tilespmem:v0+s19+$0x20 ss:$0x1], $0xffff;
	s19 =	sshra.s32 s21, $0x2;
	s21 =	sadd.s32 $0x200, s21  }
0x36: {  	_ =	sdelay $0x2  }
0x37: {  	[tilespmem:s20+$0xFFFFFFD0] =	vst v5  }
0x38: {  	v56 =	vld.idx.msk [tilespmem:v0+s19+$0x30 ss:$0x1], $0xffff;
	[tilespmem:s20+$0xFFFFFFE0] =	vst v4  }
0x39: {  	v57 =	vld.idx.msk [tilespmem:v0+s19+$0xFFFFFFC0 ss:$0x1], $0xffff;
	[tilespmem:s20+$0xFFFFFFF0] =	vst v3  }
0x3a: {  	v58 =	vld.idx.msk [tilespmem:v0+s19+$0xFFFFFFD0 ss:$0x1], $0xffff;
	[tilespmem:s20+$0x0] =	vst v1  }
0x3b: {  	v59 =	vld.idx.msk [tilespmem:v0+s19+$0xFFFFFFE0 ss:$0x1], $0xffff;
	[tilespmem:s20+$0x10] =	vst v2  }
0x3c: {  	v60 =	vld.idx.msk [tilespmem:v0+s19+$0xFFFFFFF0 ss:$0x1], $0xffff;
	s31 =	sadd.s32 $0x400, s20;
	[tilespmem:s20+$0x20] =	vst v6  }
0x3d: {  	v61 =	vld.idx.msk [tilespmem:v0+s19+$0x0 ss:$0x1], $0xffff;
	[tilespmem:s31+$0x30] =	vst v56  }
0x3e: {  	v62 =	vld.idx.msk [tilespmem:v0+s19+$0x10 ss:$0x1], $0xffff;
	s18 =	sadd.s32 $0x1, s18;
	[tilespmem:s31+$0xFFFFFFC0] =	vst v57  }
0x3f: {  	v63 =	vld.idx.msk [tilespmem:v0+s19+$0x20 ss:$0x1], $0xffff;
	p1 =	sne.s32 s18, $0x8;
	[tilespmem:s31+$0xFFFFFFD0] =	vst v58  }
.Ltmp4:
0x40: {  	[tilespmem:s31+$0xFFFFFFE0] =	vst v59;
	(pc) =	sbr.rel @p1 .LBB1_4-.Ltmp4, $4  }
0x41: {  	[tilespmem:s31+$0xFFFFFFF0] =	vst v60  }
0x42: {  	[tilespmem:s31+$0x0] =	vst v61  }
0x43: {  	[tilespmem:s31+$0x10] =	vst v62  }
0x44: {  	s16 =	sadd.s32 $0x80, s16;
	s17 =	sadd.s32 $0x400, s17;
	[tilespmem:s31+$0x20] =	vst v63  }
.Ltmp5:
0x45: {  	(pc) =	sbr.rel @p0 .LBB1_3-.Ltmp5, $2  }
0x46: {  	_ =	sdelay $0x2  }
0x47: {  	s16 =	simm.s32 $0x2000;
	p1 =	por $0x0, $0x0  }
.Ltmp6:
0x48: {  	(pc) =	sbr.rel .LBB1_9-.Ltmp6, $4  }
0x49: {  	_ = 	snop  }
0x4a: {  	s12 =	sshll.u32 s12, $0xA  }
0x4b: {  	s12 =	sadd.s32 s4, s12  }
0x4c: {  	[hbm4b:s12+s8] =	stream.linear.scatter [tilespmem:s13], [sflag:$0x2], $0x4000, $0x38;
	[tilespmem:$0x10000] =	vst v63  }
.LBB1_10:
0x4d: {  	_ =	sfence.sel $0x180000  }
0x4e: {  	s2 =	simm.s32 $0x1;
	[bflag:$0x0] =	sbarrier.arrive $0xFFFF  }
0x4f: {  	s31 =	simm.s32 $0x2;
	[sflag:s2] =	ssyncpa.u1 $0x1  }
0x50: {  	[sflag:s31] =	ssyncpa.u1 $0x1  }
0x51: {  	p0 =	sne.s32 s0, $0x0;
	_ =	strace $0x90000047  }
0x52: {  	s0 =	sadd.s32 @!p0 $0x100000, s1;
	[bflag:$0x2] =	sbarrier.arrive $0xFFFF  }
0x53: {  	[sflag:s0] =	ssyncadd.tile.s32 @!p0 $0x1;
	_ =	shalt  }
.Lfunc_end1:
_tile_overlayer_lowered:
.L_overlay_start_2:
0x54: {  	(tag) =	ssettag $0x2  }
0x55: {  	s0 =	rddreg [dreg:$0x0];
	s2 =	stileid.u32  }
0x56: {  	s1 =	rddreg [dreg:$0x1];
	p0 =	sne.s32 s2, $0x0  }
0x57: {  	s3 =	rddreg [dreg:$0x2];
	[bflag:$0x3] =	sbarrier.arrive $0xFFFF;
	s2 =	simm.s32 @!p0 $0x1C01  }
0x58: {  	[timem:s3], [sflag:s2] =	dma.local @!p0 [hbm:s0], s1  }
0x59: {  	s0 =	simm.s32 @!p0 $0x1  }
0x5a: {  	_ =	swait.ge @!p0 [sflag:s0], s1  }
0x5b: {  	s1 =	ssub.s32 @!p0 $0x0, s1;
	[sflag:s0] =	ssyncset.done @!p0 $0x0  }
0x5c: {  	[sflag:s0] =	ssyncadd.s32 @!p0 s1  }
0x5d: {  	[bflag:$0x3] =	sbarrier.arrive $0xFFFF  }
0x5e: {  	_ =	shalt  }

</sc_bundles>
